<compile_context>
chip_gen: v7x
topology: tpu7x:2x2x1
jax: 0.10.2.dev20260603
libtpu: 0.0.44.dev20260713+nightly
codegen_flags: <defaults>
</compile_context>

<pallas_src>
import functools

import jax
import jax.numpy as jnp
from jax import lax
from jax.experimental import pallas as pl
from jax.experimental.pallas import tpu as pltpu

_D_MODEL = 1024
_D_FF = 4096
_N_EXPERTS = 8
_EPS = 1e-6

_BLK = 128
_N_TOKENS = 2048
_NB = _N_TOKENS // _BLK + _N_EXPERTS
_N_PAD = _NB * _BLK


_CHUNK = 256


def _router_body(x_ref, wg_ref, dest_ref, coef_ref, meta_ref, xbf_ref):
    x = x_ref[...]
    wg = wg_ref[...]
    n = x.shape[0]
    scores = lax.dot_general(x, wg, (((1,), (1,)), ((), ())),
                             preferred_element_type=jnp.float32)
    m = jnp.max(scores, axis=1, keepdims=True)
    lane = lax.broadcasted_iota(jnp.int32, scores.shape, 1)
    top1 = jnp.min(jnp.where(scores >= m, lane, _N_EXPERTS), axis=1,
                   keepdims=True)
    onehot = (lane == top1).astype(jnp.float32)
    masked = scores * onehot
    denom = jnp.sum(masked, axis=0, keepdims=True) + _EPS
    capacity = float(_N_TOKENS)
    coef = jnp.sum(masked / denom, axis=1, keepdims=True) * capacity

    cum_rows = []
    for c in range(n // _CHUNK):
        r_ids = lax.broadcasted_iota(jnp.int32, (_CHUNK, n), 0) \
            + c * _CHUNK
        c_ids = lax.broadcasted_iota(jnp.int32, (_CHUNK, n), 1)
        tri = (c_ids <= r_ids).astype(jnp.float32)
        cum_rows.append(
            lax.dot_general(tri, onehot, (((1,), (0,)), ((), ())),
                            preferred_element_type=jnp.float32))
    cum = jnp.concatenate(cum_rows, axis=0)
    rank = jnp.sum(cum * onehot, axis=1, keepdims=True) - 1.0
    counts = cum[n - 1:n, :].astype(jnp.int32)
    bpe = (counts + _BLK - 1) // _BLK

    er = lax.broadcasted_iota(jnp.int32, (_N_EXPERTS, _N_EXPERTS), 0)
    ec = lax.broadcasted_iota(jnp.int32, (_N_EXPERTS, _N_EXPERTS), 1)
    strict_up = (er < ec).astype(jnp.float32)
    seg_start = lax.dot_general(bpe.astype(jnp.float32), strict_up,
                                (((1,), (0,)), ((), ())),
                                preferred_element_type=jnp.float32)
    nblocks = jnp.sum(bpe, axis=1, keepdims=True)
    seg_end = seg_start.astype(jnp.int32) + bpe

    dest_f = jnp.sum(onehot * seg_start, axis=1, keepdims=True) * \
        float(_BLK) + rank
    dest_ref[...] = dest_f.astype(jnp.int32)
    coef_ref[...] = coef

    jb = lax.broadcasted_iota(jnp.int32, (_NB, _N_EXPERTS), 0)
    be = jnp.sum((jb >= seg_end).astype(jnp.int32), axis=1,
                 keepdims=True)
    lane8 = lax.broadcasted_iota(jnp.int32, (1, _N_EXPERTS), 1)
    last_e = jnp.max(jnp.where(counts > 0, lane8, 0), axis=1,
                     keepdims=True)
    jcol = lax.broadcasted_iota(jnp.int32, (_NB, 1), 0)
    be = jnp.where(jcol < nblocks, be, last_e)
    meta_ref[...] = jnp.concatenate([be, nblocks], axis=0)
    xbf_ref[...] = x.astype(jnp.bfloat16)


def _router(x, wg):
    n = x.shape[0]
    return pl.pallas_call(
        _router_body,
        out_shape=(
            jax.ShapeDtypeStruct((n, 1), jnp.int32),
            jax.ShapeDtypeStruct((n, 1), jnp.float32),
            jax.ShapeDtypeStruct((_NB + 1, 1), jnp.int32),
            jax.ShapeDtypeStruct((n, _D_MODEL), jnp.bfloat16),
        ),
        compiler_params=pltpu.CompilerParams(
            vmem_limit_bytes=100 * 1024 * 1024,
        ),
    )(x, wg)


_FC = 2048
_NF = _D_FF // _FC


def _ffn_body(meta_ref, x_ref, w1_ref, b1_ref, w2_ref, b2_ref, out_ref):
    f = pl.program_id(0)
    i = pl.program_id(1)
    rows = pl.ds(i * _BLK, _BLK)

    @pl.when(i < meta_ref[_NB, 0])
    def _():
        w1 = w1_ref[0].astype(jnp.bfloat16)
        h = lax.dot_general(x_ref[...], w1, (((1,), (1,)), ((), ())),
                            preferred_element_type=jnp.float32)
        h = jnp.maximum(h + b1_ref[0], 0.0).astype(jnp.bfloat16)
        w2 = w2_ref[0].astype(jnp.bfloat16)
        part = lax.dot_general(h, w2, (((1,), (1,)), ((), ())),
                               preferred_element_type=jnp.float32)

        @pl.when(f == 0)
        def _():
            out_ref[rows, :] = part

        @pl.when((f > 0) & (f < _NF - 1))
        def _():
            out_ref[rows, :] += part

        @pl.when((f == _NF - 1) & (f > 0))
        def _():
            out_ref[rows, :] = out_ref[rows, :] + part + b2_ref[0]


def _ffn(meta, x_pad, w1, b1, w2, b2):
    grid_spec = pltpu.PrefetchScalarGridSpec(
        num_scalar_prefetch=1,
        grid=(_NF, _NB),
        in_specs=[
            pl.BlockSpec((_BLK, _D_MODEL), lambda f, i, p: (i, 0)),
            pl.BlockSpec((1, _FC, _D_MODEL), lambda f, i, p: (p[i, 0], f, 0)),
            pl.BlockSpec((1, 1, _FC), lambda f, i, p: (p[i, 0], 0, f)),
            pl.BlockSpec((1, _D_MODEL, _FC), lambda f, i, p: (p[i, 0], 0, f)),
            pl.BlockSpec((1, 1, _D_MODEL), lambda f, i, p: (p[i, 0], 0, 0)),
        ],
        out_specs=pl.BlockSpec((_N_PAD, _D_MODEL), lambda f, i, p: (0, 0)),
    )
    return pl.pallas_call(
        _ffn_body,
        grid_spec=grid_spec,
        out_shape=jax.ShapeDtypeStruct((_N_PAD, _D_MODEL), jnp.float32),
        compiler_params=pltpu.CompilerParams(
            dimension_semantics=("arbitrary", "arbitrary"),
            vmem_limit_bytes=100 * 1024 * 1024,
        ),
    )(meta, x_pad, w1, b1, w2, b2)


@jax.jit
def kernel(x, Wg, W1, b1, W2, b2):
    dest2, coef, meta, xbf = _router(x, Wg)
    dest = dest2[:, 0]

    x_pad = jnp.zeros((_N_PAD, _D_MODEL), jnp.bfloat16).at[dest].set(xbf)
    y_pad = _ffn(meta, x_pad, W1, b1[:, None, :], W2, b2[:, None, :])
    return y_pad[dest] * coef

# --- scband reference (transcript-rebuilt; emitter-appended) ---
"""Pipeline reference for scband-switch-mo-e-78924319031887 (READ-ONLY COPY).

The authoritative reference and input builder live on the scoring server;
editing this copy changes nothing except your own understanding.
"""

import jax, jax.numpy as jnp
import numpy as np

D_MODEL = 1024
D_FF = 4096
NUM_EXPERTS = 8
CAPACITY_FACTOR = 1.0
EPS = 1e-06


def setup_inputs(seed: int = 0) -> dict:
    key = jax.random.key(seed)
    ks = jax.random.split(key, 6)
    x = jax.random.normal(ks[0], (2048, D_MODEL), dtype=jnp.float32)
    Wg = jax.random.normal(ks[1], (NUM_EXPERTS, D_MODEL), dtype=jnp.float32) * 0.02
    W1 = jax.random.normal(ks[2], (NUM_EXPERTS, D_FF, D_MODEL), dtype=jnp.float32) * 0.02
    b1 = jnp.zeros((NUM_EXPERTS, D_FF), dtype=jnp.float32)
    W2 = jax.random.normal(ks[3], (NUM_EXPERTS, D_MODEL, D_FF), dtype=jnp.float32) * 0.02
    b2 = jnp.zeros((NUM_EXPERTS, D_MODEL), dtype=jnp.float32)
    return {"x": x, "Wg": Wg, "W1": W1, "b1": b1, "W2": W2, "b2": b2}


def reference(x, Wg, W1, b1, W2, b2):
    # Router
    gate_scores = x @ Wg.T                                  # [N, E]
    gate_probs = jax.nn.softmax(gate_scores, axis=-1)
    capacity = float(int(CAPACITY_FACTOR * x.shape[0]))
    top1 = jnp.argmax(gate_probs, axis=-1)                  # [N]
    mask = jax.nn.one_hot(top1, NUM_EXPERTS, dtype=gate_scores.dtype)
    masked_gate_scores = gate_scores * mask
    denominators = masked_gate_scores.sum(axis=0, keepdims=True) + EPS
    gate = masked_gate_scores / denominators * capacity      # [N, E]
    # Experts: every expert processes every token (dense SwitchMoE as written)
    h = jnp.einsum('nd,efd->nef', x, W1) + b1[None, :, :]    # [N, E, d_ff]
    h = jax.nn.relu(h)
    y = jnp.einsum('nef,emf->nem', h, W2) + b2[None, :, :]   # [N, E, d_model]
    expert_outputs = jnp.einsum('ne,nem->nm', gate, y)       # [N, d_model]
    return expert_outputs

if __name__ == "__main__":
    import jax
    _d = setup_inputs()
    print(jax.jit(kernel)(*tuple(_d.values())))

</pallas_src>

<mosaic_0001>
module attributes {stable_mosaic.version = 14 : i64} {
  func.func @_router_body(%arg0: memref<2048x1024xf32, #tpu.memory_space<vmem>>, %arg1: memref<8x1024xf32, #tpu.memory_space<vmem>>, %arg2: memref<2048x1xi32, #tpu.memory_space<vmem>>, %arg3: memref<2048x1xf32, #tpu.memory_space<vmem>>, %arg4: memref<25x1xi32, #tpu.memory_space<vmem>>, %arg5: memref<2048x1024xbf16, #tpu.memory_space<vmem>>) attributes {dimension_semantics = [], scalar_prefetch = 0 : i64, scratch_operands = 0 : i64, tpu.core_type = #tpu.core_type<tc>} {
    %get3A = arith.constant 0 : index
    %get3A_0 = arith.constant 0 : index
    %get3A_1 = vector.load %arg0[%get3A, %get3A_0] : memref<2048x1024xf32, #tpu.memory_space<vmem>>, vector<2048x1024xf32>
    %get3A_2 = arith.constant 0 : index
    %get3A_3 = arith.constant 0 : index
    %get3A_4 = vector.load %arg1[%get3A_2, %get3A_3] : memref<8x1024xf32, #tpu.memory_space<vmem>>, vector<8x1024xf32>
    %dot_general3A = arith.constant dense<0.000000e+00> : vector<2048x8xf32>
    %dot_general3A_5 = tpu.matmul %get3A_1, %get3A_4, %dot_general3A {dimension_numbers = #tpu.dot_dimension_numbers<[1], [1], [0], [0], [0, 0, 1, 0], [], []>, transpose_lhs_hint = false} : vector<2048x1024xf32>, vector<8x1024xf32>, vector<2048x8xf32> -> vector<2048x8xf32>
    %reduce_max3A = arith.constant dense<0xFF800000> : vector<2048xf32>
    %reduce_max3A_6 = vector.multi_reduction <maximumf>, %dot_general3A_5, %reduce_max3A [1] : vector<2048x8xf32> to vector<2048xf32>
    %broadcast_in_dim3A = vector.shape_cast %reduce_max3A_6 : vector<2048xf32> to vector<2048x1xf32>
    %iota3A = tpu.iota {dimensions = array<i32: 1>} : vector<2048x8xi32>
    %ge3A = vector.broadcast %broadcast_in_dim3A : vector<2048x1xf32> to vector<2048x8xf32>
    %ge3A_7 = arith.cmpf oge, %dot_general3A_5, %ge3A : vector<2048x8xf32>
    %jit3A = arith.constant 8 : i32
    %broadcast_in_dim3A_8 = vector.broadcast %jit3A : i32 to vector<2048x8xi32>
    %select_n3A = arith.select %ge3A_7, %iota3A, %broadcast_in_dim3A_8 : vector<2048x8xi1>, vector<2048x8xi32>
    %reduce_min3A = arith.constant dense<2147483647> : vector<2048xi32>
    %reduce_min3A_9 = vector.multi_reduction <minsi>, %select_n3A, %reduce_min3A [1] : vector<2048x8xi32> to vector<2048xi32>
    %broadcast_in_dim3A_10 = vector.shape_cast %reduce_min3A_9 : vector<2048xi32> to vector<2048x1xi32>
    %eq3A = vector.broadcast %broadcast_in_dim3A_10 : vector<2048x1xi32> to vector<2048x8xi32>
    %eq3A_11 = arith.cmpi eq, %iota3A, %eq3A : vector<2048x8xi32>
    %convert_element_type3A = arith.extui %eq3A_11 : vector<2048x8xi1> to vector<2048x8xi32>
    %convert_element_type3A_12 = arith.sitofp %convert_element_type3A : vector<2048x8xi32> to vector<2048x8xf32>
    %mul3A = arith.mulf %dot_general3A_5, %convert_element_type3A_12 : vector<2048x8xf32>
    %reduce_sum3A = arith.constant dense<0.000000e+00> : vector<8xf32>
    %reduce_sum3A_13 = vector.multi_reduction <add>, %mul3A, %reduce_sum3A [0] : vector<2048x8xf32> to vector<8xf32>
    %broadcast_in_dim3A_14 = vector.shape_cast %reduce_sum3A_13 : vector<8xf32> to vector<1x8xf32>
    %add3A = arith.constant 9.99999997E-7 : f32
    %add3A_15 = vector.broadcast %add3A : f32 to vector<1x8xf32>
    %add3A_16 = arith.addf %broadcast_in_dim3A_14, %add3A_15 : vector<1x8xf32>
    %div3A = vector.broadcast %add3A_16 : vector<1x8xf32> to vector<2048x8xf32>
    %div3A_17 = arith.divf %mul3A, %div3A : vector<2048x8xf32>
    %reduce_sum3A_18 = arith.constant dense<0.000000e+00> : vector<2048xf32>
    %reduce_sum3A_19 = vector.multi_reduction <add>, %div3A_17, %reduce_sum3A_18 [1] : vector<2048x8xf32> to vector<2048xf32>
    %broadcast_in_dim3A_20 = vector.shape_cast %reduce_sum3A_19 : vector<2048xf32> to vector<2048x1xf32>
    %mul3A_21 = arith.constant 2.048000e+03 : f32
    %mul3A_22 = vector.broadcast %mul3A_21 : f32 to vector<2048x1xf32>
    %mul3A_23 = arith.mulf %broadcast_in_dim3A_20, %mul3A_22 : vector<2048x1xf32>
    %iota3A_24 = tpu.iota {dimensions = array<i32: 0>} : vector<256x2048xi32>
    %add3A_25 = arith.constant 0 : i32
    %add3A_26 = vector.broadcast %add3A_25 : i32 to vector<256x2048xi32>
    %add3A_27 = arith.addi %iota3A_24, %add3A_26 : vector<256x2048xi32>
    %iota3A_28 = tpu.iota {dimensions = array<i32: 1>} : vector<256x2048xi32>
    %le3A = arith.cmpi sle, %iota3A_28, %add3A_27 : vector<256x2048xi32>
    %convert_element_type3A_29 = arith.extui %le3A : vector<256x2048xi1> to vector<256x2048xi32>
    %convert_element_type3A_30 = arith.sitofp %convert_element_type3A_29 : vector<256x2048xi32> to vector<256x2048xf32>
    %dot_general3A_31 = arith.constant dense<0.000000e+00> : vector<256x8xf32>
    %dot_general3A_32 = tpu.matmul %convert_element_type3A_30, %convert_element_type3A_12, %dot_general3A_31 {dimension_numbers = #tpu.dot_dimension_numbers<[1], [0], [0], [1], [0, 0, 1, 1], [], []>, transpose_lhs_hint = false} : vector<256x2048xf32>, vector<2048x8xf32>, vector<256x8xf32> -> vector<256x8xf32>
    %iota3A_33 = tpu.iota {dimensions = array<i32: 0>} : vector<256x2048xi32>
    %add3A_34 = arith.constant 256 : i32
    %add3A_35 = vector.broadcast %add3A_34 : i32 to vector<256x2048xi32>
    %add3A_36 = arith.addi %iota3A_33, %add3A_35 : vector<256x2048xi32>
    %iota3A_37 = tpu.iota {dimensions = array<i32: 1>} : vector<256x2048xi32>
    %le3A_38 = arith.cmpi sle, %iota3A_37, %add3A_36 : vector<256x2048xi32>
    %convert_element_type3A_39 = arith.extui %le3A_38 : vector<256x2048xi1> to vector<256x2048xi32>
    %convert_element_type3A_40 = arith.sitofp %convert_element_type3A_39 : vector<256x2048xi32> to vector<256x2048xf32>
    %dot_general3A_41 = arith.constant dense<0.000000e+00> : vector<256x8xf32>
    %dot_general3A_42 = tpu.matmul %convert_element_type3A_40, %convert_element_type3A_12, %dot_general3A_41 {dimension_numbers = #tpu.dot_dimension_numbers<[1], [0], [0], [1], [0, 0, 1, 1], [], []>, transpose_lhs_hint = false} : vector<256x2048xf32>, vector<2048x8xf32>, vector<256x8xf32> -> vector<256x8xf32>
    %iota3A_43 = tpu.iota {dimensions = array<i32: 0>} : vector<256x2048xi32>
    %add3A_44 = arith.constant 512 : i32
    %add3A_45 = vector.broadcast %add3A_44 : i32 to vector<256x2048xi32>
    %add3A_46 = arith.addi %iota3A_43, %add3A_45 : vector<256x2048xi32>
    %iota3A_47 = tpu.iota {dimensions = array<i32: 1>} : vector<256x2048xi32>
    %le3A_48 = arith.cmpi sle, %iota3A_47, %add3A_46 : vector<256x2048xi32>
    %convert_element_type3A_49 = arith.extui %le3A_48 : vector<256x2048xi1> to vector<256x2048xi32>
    %convert_element_type3A_50 = arith.sitofp %convert_element_type3A_49 : vector<256x2048xi32> to vector<256x2048xf32>
    %dot_general3A_51 = arith.constant dense<0.000000e+00> : vector<256x8xf32>
    %dot_general3A_52 = tpu.matmul %convert_element_type3A_50, %convert_element_type3A_12, %dot_general3A_51 {dimension_numbers = #tpu.dot_dimension_numbers<[1], [0], [0], [1], [0, 0, 1, 1], [], []>, transpose_lhs_hint = false} : vector<256x2048xf32>, vector<2048x8xf32>, vector<256x8xf32> -> vector<256x8xf32>
    %iota3A_53 = tpu.iota {dimensions = array<i32: 0>} : vector<256x2048xi32>
    %add3A_54 = arith.constant 768 : i32
    %add3A_55 = vector.broadcast %add3A_54 : i32 to vector<256x2048xi32>
    %add3A_56 = arith.addi %iota3A_53, %add3A_55 : vector<256x2048xi32>
    %iota3A_57 = tpu.iota {dimensions = array<i32: 1>} : vector<256x2048xi32>
    %le3A_58 = arith.cmpi sle, %iota3A_57, %add3A_56 : vector<256x2048xi32>
    %convert_element_type3A_59 = arith.extui %le3A_58 : vector<256x2048xi1> to vector<256x2048xi32>
    %convert_element_type3A_60 = arith.sitofp %convert_element_type3A_59 : vector<256x2048xi32> to vector<256x2048xf32>
    %dot_general3A_61 = arith.constant dense<0.000000e+00> : vector<256x8xf32>
    %dot_general3A_62 = tpu.matmul %convert_element_type3A_60, %convert_element_type3A_12, %dot_general3A_61 {dimension_numbers = #tpu.dot_dimension_numbers<[1], [0], [0], [1], [0, 0, 1, 1], [], []>, transpose_lhs_hint = false} : vector<256x2048xf32>, vector<2048x8xf32>, vector<256x8xf32> -> vector<256x8xf32>
    %iota3A_63 = tpu.iota {dimensions = array<i32: 0>} : vector<256x2048xi32>
    %add3A_64 = arith.constant 1024 : i32
    %add3A_65 = vector.broadcast %add3A_64 : i32 to vector<256x2048xi32>
    %add3A_66 = arith.addi %iota3A_63, %add3A_65 : vector<256x2048xi32>
    %iota3A_67 = tpu.iota {dimensions = array<i32: 1>} : vector<256x2048xi32>
    %le3A_68 = arith.cmpi sle, %iota3A_67, %add3A_66 : vector<256x2048xi32>
    %convert_element_type3A_69 = arith.extui %le3A_68 : vector<256x2048xi1> to vector<256x2048xi32>
    %convert_element_type3A_70 = arith.sitofp %convert_element_type3A_69 : vector<256x2048xi32> to vector<256x2048xf32>
    %dot_general3A_71 = arith.constant dense<0.000000e+00> : vector<256x8xf32>
    %dot_general3A_72 = tpu.matmul %convert_element_type3A_70, %convert_element_type3A_12, %dot_general3A_71 {dimension_numbers = #tpu.dot_dimension_numbers<[1], [0], [0], [1], [0, 0, 1, 1], [], []>, transpose_lhs_hint = false} : vector<256x2048xf32>, vector<2048x8xf32>, vector<256x8xf32> -> vector<256x8xf32>
    %iota3A_73 = tpu.iota {dimensions = array<i32: 0>} : vector<256x2048xi32>
    %add3A_74 = arith.constant 1280 : i32
    %add3A_75 = vector.broadcast %add3A_74 : i32 to vector<256x2048xi32>
    %add3A_76 = arith.addi %iota3A_73, %add3A_75 : vector<256x2048xi32>
    %iota3A_77 = tpu.iota {dimensions = array<i32: 1>} : vector<256x2048xi32>
    %le3A_78 = arith.cmpi sle, %iota3A_77, %add3A_76 : vector<256x2048xi32>
    %convert_element_type3A_79 = arith.extui %le3A_78 : vector<256x2048xi1> to vector<256x2048xi32>
    %convert_element_type3A_80 = arith.sitofp %convert_element_type3A_79 : vector<256x2048xi32> to vector<256x2048xf32>
    %dot_general3A_81 = arith.constant dense<0.000000e+00> : vector<256x8xf32>
    %dot_general3A_82 = tpu.matmul %convert_element_type3A_80, %convert_element_type3A_12, %dot_general3A_81 {dimension_numbers = #tpu.dot_dimension_numbers<[1], [0], [0], [1], [0, 0, 1, 1], [], []>, transpose_lhs_hint = false} : vector<256x2048xf32>, vector<2048x8xf32>, vector<256x8xf32> -> vector<256x8xf32>
    %iota3A_83 = tpu.iota {dimensions = array<i32: 0>} : vector<256x2048xi32>
    %add3A_84 = arith.constant 1536 : i32
    %add3A_85 = vector.broadcast %add3A_84 : i32 to vector<256x2048xi32>
    %add3A_86 = arith.addi %iota3A_83, %add3A_85 : vector<256x2048xi32>
    %iota3A_87 = tpu.iota {dimensions = array<i32: 1>} : vector<256x2048xi32>
    %le3A_88 = arith.cmpi sle, %iota3A_87, %add3A_86 : vector<256x2048xi32>
    %convert_element_type3A_89 = arith.extui %le3A_88 : vector<256x2048xi1> to vector<256x2048xi32>
    %convert_element_type3A_90 = arith.sitofp %convert_element_type3A_89 : vector<256x2048xi32> to vector<256x2048xf32>
    %dot_general3A_91 = arith.constant dense<0.000000e+00> : vector<256x8xf32>
    %dot_general3A_92 = tpu.matmul %convert_element_type3A_90, %convert_element_type3A_12, %dot_general3A_91 {dimension_numbers = #tpu.dot_dimension_numbers<[1], [0], [0], [1], [0, 0, 1, 1], [], []>, transpose_lhs_hint = false} : vector<256x2048xf32>, vector<2048x8xf32>, vector<256x8xf32> -> vector<256x8xf32>
    %iota3A_93 = tpu.iota {dimensions = array<i32: 0>} : vector<256x2048xi32>
    %add3A_94 = arith.constant 1792 : i32
    %add3A_95 = vector.broadcast %add3A_94 : i32 to vector<256x2048xi32>
    %add3A_96 = arith.addi %iota3A_93, %add3A_95 : vector<256x2048xi32>
    %iota3A_97 = tpu.iota {dimensions = array<i32: 1>} : vector<256x2048xi32>
    %le3A_98 = arith.cmpi sle, %iota3A_97, %add3A_96 : vector<256x2048xi32>
    %convert_element_type3A_99 = arith.extui %le3A_98 : vector<256x2048xi1> to vector<256x2048xi32>
    %convert_element_type3A_100 = arith.sitofp %convert_element_type3A_99 : vector<256x2048xi32> to vector<256x2048xf32>
    %dot_general3A_101 = arith.constant dense<0.000000e+00> : vector<256x8xf32>
    %dot_general3A_102 = tpu.matmul %convert_element_type3A_100, %convert_element_type3A_12, %dot_general3A_101 {dimension_numbers = #tpu.dot_dimension_numbers<[1], [0], [0], [1], [0, 0, 1, 1], [], []>, transpose_lhs_hint = false} : vector<256x2048xf32>, vector<2048x8xf32>, vector<256x8xf32> -> vector<256x8xf32>
    %concatenate3A = tpu.concatenate %dot_general3A_32, %dot_general3A_42, %dot_general3A_52, %dot_general3A_62, %dot_general3A_72, %dot_general3A_82, %dot_general3A_92, %dot_general3A_102 in 0 : vector<256x8xf32>, vector<256x8xf32>, vector<256x8xf32>, vector<256x8xf32>, vector<256x8xf32>, vector<256x8xf32>, vector<256x8xf32>, vector<256x8xf32> -> vector<2048x8xf32>
    %mul3A_103 = arith.mulf %concatenate3A, %convert_element_type3A_12 : vector<2048x8xf32>
    %reduce_sum3A_104 = arith.constant dense<0.000000e+00> : vector<2048xf32>
    %reduce_sum3A_105 = vector.multi_reduction <add>, %mul3A_103, %reduce_sum3A_104 [1] : vector<2048x8xf32> to vector<2048xf32>
    %broadcast_in_dim3A_106 = vector.shape_cast %reduce_sum3A_105 : vector<2048xf32> to vector<2048x1xf32>
    %sub3A = arith.constant 1.000000e+00 : f32
    %sub3A_107 = vector.broadcast %sub3A : f32 to vector<2048x1xf32>
    %sub3A_108 = arith.subf %broadcast_in_dim3A_106, %sub3A_107 : vector<2048x1xf32>
    %slice3A = vector.extract_strided_slice %concatenate3A {offsets = [2047, 0], sizes = [1, 8], strides = [1, 1]} : vector<2048x8xf32> to vector<1x8xf32>
    %convert_element_type3A_109 = arith.fptosi %slice3A : vector<1x8xf32> to vector<1x8xi32>
    %add3A_110 = arith.constant 128 : i32
    %add3A_111 = vector.broadcast %add3A_110 : i32 to vector<1x8xi32>
    %add3A_112 = arith.addi %convert_element_type3A_109, %add3A_111 : vector<1x8xi32>
    %sub3A_113 = arith.constant 1 : i32
    %sub3A_114 = vector.broadcast %sub3A_113 : i32 to vector<1x8xi32>
    %sub3A_115 = arith.subi %add3A_112, %sub3A_114 : vector<1x8xi32>
    %jit3A_116 = arith.constant 128 : i32
    %div3A_117 = vector.broadcast %jit3A_116 : i32 to vector<1x8xi32>
    %div3A_118 = arith.divsi %sub3A_115, %div3A_117 : vector<1x8xi32>
    %sign3A = arith.constant 0 : i32
    %sign3A_119 = vector.broadcast %sign3A : i32 to vector<1x8xi32>
    %sign3A_120 = arith.cmpi sgt, %sub3A_115, %sign3A_119 : vector<1x8xi32>
    %sign3A_121 = arith.extui %sign3A_120 : vector<1x8xi1> to vector<1x8xi32>
    %sign3A_122 = arith.constant 0 : i32
    %sign3A_123 = vector.broadcast %sign3A_122 : i32 to vector<1x8xi32>
    %sign3A_124 = arith.cmpi slt, %sub3A_115, %sign3A_123 : vector<1x8xi32>
    %sign3A_125 = arith.extui %sign3A_124 : vector<1x8xi1> to vector<1x8xi32>
    %sign3A_126 = arith.subi %sign3A_121, %sign3A_125 : vector<1x8xi32>
    %sign3A_127 = arith.constant 0 : i32
    %sign3A_128 = arith.cmpi sgt, %jit3A_116, %sign3A_127 : i32
    %sign3A_129 = arith.extui %sign3A_128 : i1 to i32
    %sign3A_130 = arith.constant 0 : i32
    %sign3A_131 = arith.cmpi slt, %jit3A_116, %sign3A_130 : i32
    %sign3A_132 = arith.extui %sign3A_131 : i1 to i32
    %sign3A_133 = arith.subi %sign3A_129, %sign3A_132 : i32
    %ne3A = vector.broadcast %sign3A_133 : i32 to vector<1x8xi32>
    %ne3A_134 = arith.cmpi ne, %sign3A_126, %ne3A : vector<1x8xi32>
    %rem3A = vector.broadcast %jit3A_116 : i32 to vector<1x8xi32>
    %rem3A_135 = arith.remsi %sub3A_115, %rem3A : vector<1x8xi32>
    %ne3A_136 = arith.constant 0 : i32
    %ne3A_137 = vector.broadcast %ne3A_136 : i32 to vector<1x8xi32>
    %ne3A_138 = arith.cmpi ne, %rem3A_135, %ne3A_137 : vector<1x8xi32>
    %and3A = arith.andi %ne3A_134, %ne3A_138 : vector<1x8xi1>
    %sub3A_139 = arith.constant 1 : i32
    %sub3A_140 = vector.broadcast %sub3A_139 : i32 to vector<1x8xi32>
    %sub3A_141 = arith.subi %div3A_118, %sub3A_140 : vector<1x8xi32>
    %select_n3A_142 = arith.select %and3A, %sub3A_141, %div3A_118 : vector<1x8xi1>, vector<1x8xi32>
    %iota3A_143 = tpu.iota {dimensions = array<i32: 0>} : vector<8x8xi32>
    %iota3A_144 = tpu.iota {dimensions = array<i32: 1>} : vector<8x8xi32>
    %lt3A = arith.cmpi slt, %iota3A_143, %iota3A_144 : vector<8x8xi32>
    %convert_element_type3A_145 = arith.extui %lt3A : vector<8x8xi1> to vector<8x8xi32>
    %convert_element_type3A_146 = arith.sitofp %convert_element_type3A_145 : vector<8x8xi32> to vector<8x8xf32>
    %convert_element_type3A_147 = arith.sitofp %select_n3A_142 : vector<1x8xi32> to vector<1x8xf32>
    %dot_general3A_148 = arith.constant dense<0.000000e+00> : vector<1x8xf32>
    %dot_general3A_149 = tpu.matmul %convert_element_type3A_147, %convert_element_type3A_146, %dot_general3A_148 {dimension_numbers = #tpu.dot_dimension_numbers<[1], [0], [0], [1], [0, 0, 1, 1], [], []>, transpose_lhs_hint = false} : vector<1x8xf32>, vector<8x8xf32>, vector<1x8xf32> -> vector<1x8xf32>
    %reduce_sum3A_150 = arith.constant dense<0> : vector<1xi32>
    %reduce_sum3A_151 = vector.multi_reduction <add>, %select_n3A_142, %reduce_sum3A_150 [1] : vector<1x8xi32> to vector<1xi32>
    %broadcast_in_dim3A_152 = vector.shape_cast %reduce_sum3A_151 : vector<1xi32> to vector<1x1xi32>
    %convert_element_type3A_153 = arith.fptosi %dot_general3A_149 : vector<1x8xf32> to vector<1x8xi32>
    %add3A_154 = arith.addi %convert_element_type3A_153, %select_n3A_142 : vector<1x8xi32>
    %mul3A_155 = vector.broadcast %dot_general3A_149 : vector<1x8xf32> to vector<2048x8xf32>
    %mul3A_156 = arith.mulf %convert_element_type3A_12, %mul3A_155 : vector<2048x8xf32>
    %reduce_sum3A_157 = arith.constant dense<0.000000e+00> : vector<2048xf32>
    %reduce_sum3A_158 = vector.multi_reduction <add>, %mul3A_156, %reduce_sum3A_157 [1] : vector<2048x8xf32> to vector<2048xf32>
    %broadcast_in_dim3A_159 = vector.shape_cast %reduce_sum3A_158 : vector<2048xf32> to vector<2048x1xf32>
    %mul3A_160 = arith.constant 1.280000e+02 : f32
    %mul3A_161 = vector.broadcast %mul3A_160 : f32 to vector<2048x1xf32>
    %mul3A_162 = arith.mulf %broadcast_in_dim3A_159, %mul3A_161 : vector<2048x1xf32>
    %add3A_163 = arith.addf %mul3A_162, %sub3A_108 : vector<2048x1xf32>
    %convert_element_type3A_164 = arith.fptosi %add3A_163 : vector<2048x1xf32> to vector<2048x1xi32>
    %swap3A = arith.constant 0 : index
    %swap3A_165 = arith.constant 0 : index
    %swap3A_166 = vector.load %arg2[%swap3A, %swap3A_165] : memref<2048x1xi32, #tpu.memory_space<vmem>>, vector<2048x1xi32>
    tpu.vector_store %arg2[%swap3A, %swap3A_165], %convert_element_type3A_164 {strides = array<i32>} : memref<2048x1xi32, #tpu.memory_space<vmem>>, vector<2048x1xi32>,
    %swap3A_167 = arith.constant 0 : index
    %swap3A_168 = arith.constant 0 : index
    %swap3A_169 = vector.load %arg3[%swap3A_167, %swap3A_168] : memref<2048x1xf32, #tpu.memory_space<vmem>>, vector<2048x1xf32>
    tpu.vector_store %arg3[%swap3A_167, %swap3A_168], %mul3A_23 {strides = array<i32>} : memref<2048x1xf32, #tpu.memory_space<vmem>>, vector<2048x1xf32>,
    %iota3A_170 = tpu.iota {dimensions = array<i32: 0>} : vector<24x8xi32>
    %ge3A_171 = vector.broadcast %add3A_154 : vector<1x8xi32> to vector<24x8xi32>
    %ge3A_172 = arith.cmpi sge, %iota3A_170, %ge3A_171 : vector<24x8xi32>
    %convert_element_type3A_173 = arith.extui %ge3A_172 : vector<24x8xi1> to vector<24x8xi32>
    %reduce_sum3A_174 = arith.constant dense<0> : vector<24xi32>
    %reduce_sum3A_175 = vector.multi_reduction <add>, %convert_element_type3A_173, %reduce_sum3A_174 [1] : vector<24x8xi32> to vector<24xi32>
    %broadcast_in_dim3A_176 = vector.shape_cast %reduce_sum3A_175 : vector<24xi32> to vector<24x1xi32>
    %iota3A_177 = tpu.iota {dimensions = array<i32: 1>} : vector<1x8xi32>
    %gt3A = arith.constant 0 : i32
    %gt3A_178 = vector.broadcast %gt3A : i32 to vector<1x8xi32>
    %gt3A_179 = arith.cmpi sgt, %convert_element_type3A_109, %gt3A_178 : vector<1x8xi32>
    %jit3A_180 = arith.constant 0 : i32
    %broadcast_in_dim3A_181 = vector.broadcast %jit3A_180 : i32 to vector<1x8xi32>
    %select_n3A_182 = arith.select %gt3A_179, %iota3A_177, %broadcast_in_dim3A_181 : vector<1x8xi1>, vector<1x8xi32>
    %reduce_max3A_183 = arith.constant dense<-2147483648> : vector<1xi32>
    %reduce_max3A_184 = vector.multi_reduction <maxsi>, %select_n3A_182, %reduce_max3A_183 [1] : vector<1x8xi32> to vector<1xi32>
    %broadcast_in_dim3A_185 = vector.shape_cast %reduce_max3A_184 : vector<1xi32> to vector<1x1xi32>
    %iota3A_186 = tpu.iota {dimensions = array<i32: 0>} : vector<24x1xi32>
    %lt3A_187 = vector.broadcast %broadcast_in_dim3A_152 : vector<1x1xi32> to vector<24x1xi32>
    %lt3A_188 = arith.cmpi slt, %iota3A_186, %lt3A_187 : vector<24x1xi32>
    %broadcast_in_dim3A_189 = vector.shape_cast %broadcast_in_dim3A_185 : vector<1x1xi32> to vector<1x1xi32>
    %broadcast_in_dim3A_190 = vector.broadcast %broadcast_in_dim3A_189 : vector<1x1xi32> to vector<24x1xi32>
    %select_n3A_191 = arith.select %lt3A_188, %broadcast_in_dim3A_176, %broadcast_in_dim3A_190 : vector<24x1xi1>, vector<24x1xi32>
    %concatenate3A_192 = tpu.concatenate %select_n3A_191, %broadcast_in_dim3A_152 in 0 : vector<24x1xi32>, vector<1x1xi32> -> vector<25x1xi32>
    %swap3A_193 = arith.constant 0 : index
    %swap3A_194 = arith.constant 0 : index
    %swap3A_195 = vector.load %arg4[%swap3A_193, %swap3A_194] : memref<25x1xi32, #tpu.memory_space<vmem>>, vector<25x1xi32>
    tpu.vector_store %arg4[%swap3A_193, %swap3A_194], %concatenate3A_192 {strides = array<i32>} : memref<25x1xi32, #tpu.memory_space<vmem>>, vector<25x1xi32>,
    %convert_element_type3A_196 = arith.truncf %get3A_1 : vector<2048x1024xf32> to vector<2048x1024xbf16>
    %swap3A_197 = arith.constant 0 : index
    %swap3A_198 = arith.constant 0 : index
    %swap3A_199 = vector.load %arg5[%swap3A_197, %swap3A_198] : memref<2048x1024xbf16, #tpu.memory_space<vmem>>, vector<2048x1024xbf16>
    tpu.vector_store %arg5[%swap3A_197, %swap3A_198], %convert_element_type3A_196 {strides = array<i32>} : memref<2048x1024xbf16, #tpu.memory_space<vmem>>, vector<2048x1024xbf16>,
    return
  }
}

module attributes {stable_mosaic.version = 14 : i64} {
  func.func @_ffn_body(%arg0: i32, %arg1: i32, %arg2: memref<25x1xi32, #tpu.memory_space<smem>>, %arg3: memref<128x1024xbf16, #tpu.memory_space<vmem>>, %arg4: memref<1x2048x1024xf32, #tpu.memory_space<vmem>>, %arg5: memref<1x1x2048xf32, #tpu.memory_space<vmem>>, %arg6: memref<1x1024x2048xf32, #tpu.memory_space<vmem>>, %arg7: memref<1x1x1024xf32, #tpu.memory_space<vmem>>, %arg8: memref<3072x1024xf32, #tpu.memory_space<vmem>>) attributes {dimension_semantics = [#tpu.dimension_semantics<arbitrary>, #tpu.dimension_semantics<arbitrary>], iteration_bounds = array<i64: 2, 24>, scalar_prefetch = 1 : i64, scratch_operands = 0 : i64, tpu.core_type = #tpu.core_type<tc>, window_params = [{transform_indices = @transform_0, window_bounds = array<i64: 128, 1024>}, {transform_indices = @transform_1, window_bounds = array<i64: 1, 2048, 1024>}, {transform_indices = @transform_2, window_bounds = array<i64: 1, 1, 2048>}, {transform_indices = @transform_3, window_bounds = array<i64: 1, 1024, 2048>}, {transform_indices = @transform_4, window_bounds = array<i64: 1, 1, 1024>}, {pipeline_mode = #tpu.pipeline_mode<synchronous>, transform_indices = @transform_5, window_bounds = array<i64: 3072, 1024>}]} {
    %mul3A = arith.constant 128 : i32
    %mul3A_0 = arith.muli %arg1, %mul3A : i32
    %get3A = arith.constant 24 : index
    %get3A_1 = arith.constant 0 : index
    %get3A_2 = memref.load %arg2[%get3A, %get3A_1] : memref<25x1xi32, #tpu.memory_space<smem>>
    %lt3A = arith.cmpi slt, %arg1, %get3A_2 : i32
    %convert_element_type3A = arith.extui %lt3A : i1 to i32
    %cond3A = arith.constant 0 : i32
    %cond3A_3 = arith.cmpi ne, %convert_element_type3A, %cond3A : i32
    scf.if %cond3A_3 {
      %get3A_4 = arith.constant 0 : index
      %get3A_5 = arith.constant 0 : index
      %get3A_6 = arith.constant 0 : index
      %get3A_7 = vector.load %arg4[%get3A_4, %get3A_5, %get3A_6] : memref<1x2048x1024xf32, #tpu.memory_space<vmem>>, vector<1x2048x1024xf32>
      %get3A_8 = vector.shape_cast %get3A_7 : vector<1x2048x1024xf32> to vector<2048x1024xf32>
      %convert_element_type3A_9 = arith.truncf %get3A_8 : vector<2048x1024xf32> to vector<2048x1024xbf16>
      %get3A_10 = arith.constant 0 : index
      %get3A_11 = arith.constant 0 : index
      %get3A_12 = vector.load %arg3[%get3A_10, %get3A_11] : memref<128x1024xbf16, #tpu.memory_space<vmem>>, vector<128x1024xbf16>
      %dot_general3A = arith.constant dense<0.000000e+00> : vector<128x2048xf32>
      %dot_general3A_13 = tpu.matmul %get3A_12, %convert_element_type3A_9, %dot_general3A {dimension_numbers = #tpu.dot_dimension_numbers<[1], [1], [0], [0], [0, 0, 1, 0], [], []>, transpose_lhs_hint = false} : vector<128x1024xbf16>, vector<2048x1024xbf16>, vector<128x2048xf32> -> vector<128x2048xf32>
      %get3A_14 = arith.constant 0 : index
      %get3A_15 = arith.constant 0 : index
      %get3A_16 = arith.constant 0 : index
      %get3A_17 = vector.load %arg5[%get3A_14, %get3A_15, %get3A_16] : memref<1x1x2048xf32, #tpu.memory_space<vmem>>, vector<1x1x2048xf32>
      %get3A_18 = vector.shape_cast %get3A_17 : vector<1x1x2048xf32> to vector<1x2048xf32>
      %add3A = vector.broadcast %get3A_18 : vector<1x2048xf32> to vector<128x2048xf32>
      %add3A_19 = arith.addf %dot_general3A_13, %add3A : vector<128x2048xf32>
      %max3A = arith.constant 0.000000e+00 : f32
      %max3A_20 = vector.broadcast %max3A : f32 to vector<128x2048xf32>
      %max3A_21 = arith.maximumf %add3A_19, %max3A_20 : vector<128x2048xf32>
      %convert_element_type3A_22 = arith.truncf %max3A_21 : vector<128x2048xf32> to vector<128x2048xbf16>
      %get3A_23 = arith.constant 0 : index
      %get3A_24 = arith.constant 0 : index
      %get3A_25 = arith.constant 0 : index
      %get3A_26 = vector.load %arg6[%get3A_23, %get3A_24, %get3A_25] : memref<1x1024x2048xf32, #tpu.memory_space<vmem>>, vector<1x1024x2048xf32>
      %get3A_27 = vector.shape_cast %get3A_26 : vector<1x1024x2048xf32> to vector<1024x2048xf32>
      %convert_element_type3A_28 = arith.truncf %get3A_27 : vector<1024x2048xf32> to vector<1024x2048xbf16>
      %dot_general3A_29 = arith.constant dense<0.000000e+00> : vector<128x1024xf32>
      %dot_general3A_30 = tpu.matmul %convert_element_type3A_22, %convert_element_type3A_28, %dot_general3A_29 {dimension_numbers = #tpu.dot_dimension_numbers<[1], [1], [0], [0], [0, 0, 1, 0], [], []>, transpose_lhs_hint = false} : vector<128x2048xbf16>, vector<1024x2048xbf16>, vector<128x1024xf32> -> vector<128x1024xf32>
      %eq3A = arith.constant 0 : i32
      %eq3A_31 = arith.cmpi eq, %arg0, %eq3A : i32
      %convert_element_type3A_32 = arith.extui %eq3A_31 : i1 to i32
      %cond3A_33 = arith.constant 0 : i32
      %cond3A_34 = arith.cmpi ne, %convert_element_type3A_32, %cond3A_33 : i32
      scf.if %cond3A_34 {
        %swap3A = arith.index_cast %mul3A_0 : i32 to index
        %swap3A_49 = arith.constant 0 : index
        %swap3A_50 = vector.load %arg8[%swap3A, %swap3A_49] : memref<3072x1024xf32, #tpu.memory_space<vmem>>, vector<128x1024xf32>
        tpu.vector_store %arg8[%swap3A, %swap3A_49], %dot_general3A_30 {strides = array<i32>} : memref<3072x1024xf32, #tpu.memory_space<vmem>>, vector<128x1024xf32>,
      } else {
      }
      %gt3A = arith.constant 0 : i32
      %gt3A_35 = arith.cmpi sgt, %arg0, %gt3A : i32
      %lt3A_36 = arith.constant 1 : i32
      %lt3A_37 = arith.cmpi slt, %arg0, %lt3A_36 : i32
      %and3A = arith.andi %gt3A_35, %lt3A_37 : i1
      %convert_element_type3A_38 = arith.extui %and3A : i1 to i32
      %cond3A_39 = arith.constant 0 : i32
      %cond3A_40 = arith.cmpi ne, %convert_element_type3A_38, %cond3A_39 : i32
      scf.if %cond3A_40 {
        %get3A_49 = arith.index_cast %mul3A_0 : i32 to index
        %get3A_50 = arith.constant 0 : index
        %get3A_51 = vector.load %arg8[%get3A_49, %get3A_50] : memref<3072x1024xf32, #tpu.memory_space<vmem>>, vector<128x1024xf32>
        %add3A_52 = arith.addf %get3A_51, %dot_general3A_30 : vector<128x1024xf32>
        %swap3A = arith.index_cast %mul3A_0 : i32 to index
        %swap3A_53 = arith.constant 0 : index
        %swap3A_54 = vector.load %arg8[%swap3A, %swap3A_53] : memref<3072x1024xf32, #tpu.memory_space<vmem>>, vector<128x1024xf32>
        tpu.vector_store %arg8[%swap3A, %swap3A_53], %add3A_52 {strides = array<i32>} : memref<3072x1024xf32, #tpu.memory_space<vmem>>, vector<128x1024xf32>,
      } else {
      }
      %eq3A_41 = arith.constant 1 : i32
      %eq3A_42 = arith.cmpi eq, %arg0, %eq3A_41 : i32
      %gt3A_43 = arith.constant 0 : i32
      %gt3A_44 = arith.cmpi sgt, %arg0, %gt3A_43 : i32
      %and3A_45 = arith.andi %eq3A_42, %gt3A_44 : i1
      %convert_element_type3A_46 = arith.extui %and3A_45 : i1 to i32
      %cond3A_47 = arith.constant 0 : i32
      %cond3A_48 = arith.cmpi ne, %convert_element_type3A_46, %cond3A_47 : i32
      scf.if %cond3A_48 {
        %get3A_49 = arith.index_cast %mul3A_0 : i32 to index
        %get3A_50 = arith.constant 0 : index
        %get3A_51 = vector.load %arg8[%get3A_49, %get3A_50] : memref<3072x1024xf32, #tpu.memory_space<vmem>>, vector<128x1024xf32>
        %add3A_52 = arith.addf %get3A_51, %dot_general3A_30 : vector<128x1024xf32>
        %get3A_53 = arith.constant 0 : index
        %get3A_54 = arith.constant 0 : index
        %get3A_55 = arith.constant 0 : index
        %get3A_56 = vector.load %arg7[%get3A_53, %get3A_54, %get3A_55] : memref<1x1x1024xf32, #tpu.memory_space<vmem>>, vector<1x1x1024xf32>
        %get3A_57 = vector.shape_cast %get3A_56 : vector<1x1x1024xf32> to vector<1x1024xf32>
        %add3A_58 = vector.broadcast %get3A_57 : vector<1x1024xf32> to vector<128x1024xf32>
        %add3A_59 = arith.addf %add3A_52, %add3A_58 : vector<128x1024xf32>
        %swap3A = arith.index_cast %mul3A_0 : i32 to index
        %swap3A_60 = arith.constant 0 : index
        %swap3A_61 = vector.load %arg8[%swap3A, %swap3A_60] : memref<3072x1024xf32, #tpu.memory_space<vmem>>, vector<128x1024xf32>
        tpu.vector_store %arg8[%swap3A, %swap3A_60], %add3A_59 {strides = array<i32>} : memref<3072x1024xf32, #tpu.memory_space<vmem>>, vector<128x1024xf32>,
      } else {
      }
    } else {
    }
    return
  }
  func.func @transform_0(%arg0: i32, %arg1: i32, %arg2: memref<25x1xi32, #tpu.memory_space<smem>>) -> (i32, i32) {
    %c0_i32 = arith.constant 0 : i32
    %c0_i32_0 = arith.constant 0 : i32
    return %arg1, %c0_i32 : i32, i32
  }
  func.func @transform_1(%arg0: i32, %arg1: i32, %arg2: memref<25x1xi32, #tpu.memory_space<smem>>) -> (i32, i32, i32) {
    %get3A = arith.index_cast %arg1 : i32 to index
    %get3A_0 = arith.constant 0 : index
    %get3A_1 = memref.load %arg2[%get3A, %get3A_0] : memref<25x1xi32, #tpu.memory_space<smem>>
    %c0_i32 = arith.constant 0 : i32
    %c0_i32_2 = arith.constant 0 : i32
    return %get3A_1, %arg0, %c0_i32 : i32, i32, i32
  }
  func.func @transform_2(%arg0: i32, %arg1: i32, %arg2: memref<25x1xi32, #tpu.memory_space<smem>>) -> (i32, i32, i32) {
    %get3A = arith.index_cast %arg1 : i32 to index
    %get3A_0 = arith.constant 0 : index
    %get3A_1 = memref.load %arg2[%get3A, %get3A_0] : memref<25x1xi32, #tpu.memory_space<smem>>
    %c0_i32 = arith.constant 0 : i32
    %c0_i32_2 = arith.constant 0 : i32
    return %get3A_1, %c0_i32, %arg0 : i32, i32, i32
  }
  func.func @transform_3(%arg0: i32, %arg1: i32, %arg2: memref<25x1xi32, #tpu.memory_space<smem>>) -> (i32, i32, i32) {
    %get3A = arith.index_cast %arg1 : i32 to index
    %get3A_0 = arith.constant 0 : index
    %get3A_1 = memref.load %arg2[%get3A, %get3A_0] : memref<25x1xi32, #tpu.memory_space<smem>>
    %c0_i32 = arith.constant 0 : i32
    %c0_i32_2 = arith.constant 0 : i32
    return %get3A_1, %c0_i32, %arg0 : i32, i32, i32
  }
  func.func @transform_4(%arg0: i32, %arg1: i32, %arg2: memref<25x1xi32, #tpu.memory_space<smem>>) -> (i32, i32, i32) {
    %get3A = arith.index_cast %arg1 : i32 to index
    %get3A_0 = arith.constant 0 : index
    %get3A_1 = memref.load %arg2[%get3A, %get3A_0] : memref<25x1xi32, #tpu.memory_space<smem>>
    %c0_i32 = arith.constant 0 : i32
    %c0_i32_2 = arith.constant 0 : i32
    %c0_i32_3 = arith.constant 0 : i32
    return %get3A_1, %c0_i32, %c0_i32_2 : i32, i32, i32
  }
  func.func @transform_5(%arg0: i32, %arg1: i32, %arg2: memref<25x1xi32, #tpu.memory_space<smem>>) -> (i32, i32) {
    %c0_i32 = arith.constant 0 : i32
    %c0_i32_0 = arith.constant 0 : i32
    %c0_i32_1 = arith.constant 0 : i32
    return %c0_i32, %c0_i32_0 : i32, i32
  }
}

</mosaic_0001>

<sc_bundles>
// kernel: gather_offload_async_start
scs
__scs_entry_jumppad:
0x0: {  	(pc) =	sbr.rel $0x88, $3  }
0x1: {  	(tag) =	ssettag $0x0;
	lr =	simm.s32 $0x1  }
0x2: {  	[smem:$0x3F9B] =	sst lr;
	_ =	strace $0xD0000000  }
0x3: {  	_ = 	snop  }
0x4: {  	_ = 	snop  }
0x5: {  	_ = 	snop  }
0x6: {  	_ = 	snop  }
0x7: {  	_ = 	snop  }
__scs_overlays_trampoline_lowered:
0x8: {  	[smem:$0x3FAA] =	sst s0  }
0x9: {  	[smem:$0x3FAB] =	sst s1  }
0xa: {  	[smem:$0x3FAC] =	sst s2  }
0xb: {  	[smem:$0x3FAD] =	sst s3  }
0xc: {  	[smem:$0x3FAE] =	sst s4  }
0xd: {  	[smem:$0x3FAF] =	sst s5  }
0xe: {  	[smem:$0x3FB0] =	sst s6  }
0xf: {  	[smem:$0x3FB1] =	sst s7  }
0x10: {  	[smem:$0x3FB2] =	sst s8  }
0x11: {  	[smem:$0x3FB3] =	sst s9;
	s0 =	simm.s32 @!p0 $0x0  }
0x12: {  	s1 =	sld [smem:$0x3F99];
	s0 =	simm.s32 @p0 $0x1  }
0x13: {  	[smem:$0x3FB4] =	sst s0;
	s0 =	simm.s32 @!p1 $0x0  }
0x14: {  	s2 =	sld [smem:$0x3F98];
	s0 =	simm.s32 @p1 $0x1  }
0x15: {  	[smem:$0x3FB5] =	sst s0;
	s0 =	simm.s32 @!p2 $0x0  }
0x16: {  	s3 =	sld [smem:$0x3FDB];
	s0 =	simm.s32 @p2 $0x1  }
0x17: {  	s4 =	simm.s32 $0x1BF5;
	[smem:$0x3FB7] =	sst s0  }
0x18: {  	s0 =	sld [smem:$0x3F9A];
	_ =	swait.ge [sflag:s4], $0x0  }
0x19: {  	s7 =	sld [smem:$0x3F9B]  }
0x1a: {  	s8 =	sadd.s32 $0xFFFFE003, lr  }
0x1b: {  	s9 =	sadd.s32 $0xFFFFFEF7, lr;
	s5 =	simm.s32 $0xFFFFFFFF;
	p2 =	slt.u32 s8, $0xFFFFF086  }
0x1c: {  	p1 =	slt.u32 s9, $0xF7A;
	s5 =	simm.s32 @!p2 $0x0  }
0x1d: {  	s5 =	simm.s32 @p1 $0x1;
	p0 =	seq.s32 s7, s2  }
0x1e: {  	s7 =	smul.u32 @!p0 $0xF7A, s2;
	p2 =	seq.s32 @!p0 s5, $0x0  }
0x1f: {  	s9 =	smul.u32 $0xF7A, s1;
	s8 =	simm.s32 @!p0 $0x1BF5;
	p2 =	por !p2, p0  }
0x20: {  	[sflag:s8] =	ssyncset.s32 @!p0 $0xFFFFF086;
	s6 =	sadd.s32 @!p0 s3, s7;
	s7 =	simm.s32 @!p0 $0x108  }
0x21: {  	s3 =	sadd.s32 s3, s9;
	s6 =	sadd.s32 @!p0 $0x88, s6;
	s7 =	simm.s32 @p2 $0x1082  }
0x22: {  	[simem:s7], [sflag:s8] =	dma.local @!p0 [hbm:s6], $0xF7A  }
0x23: {  	s9 =	sor.u32 $0xD0000000, s2;
	s6 =	simm.s32 $0x108;
	_ =	swait.ge @!p0 [sflag:s8], $0x0  }
0x24: {  	s3 =	sadd.s32 $0x88, s3;
	s6 =	simm.s32 @!p1 $0x1082;
	[sflag:s4] =	ssyncset.s32 $0xFFFFF086  }
0x25: {  	[simem:s6], [sflag:s4] =	dma.local [hbm:s3], $0xF7A  }
0x26: {  	[smem:$0x3F9B] =	sst s1;
	(tag) =	ssettag s2;
	_ =	strace s9  }
0x27: {  	s1 =	sld [smem:$0x3FAB]  }
0x28: {  	s2 =	sld [smem:$0x3FAC]  }
0x29: {  	s4 =	sld [smem:$0x3FAE]  }
0x2a: {  	p0 =	seq.s32 s5, $0x0;
	s5 =	sld [smem:$0x3FAF]  }
0x2b: {  	s6 =	sld [smem:$0x3FB0]  }
0x2c: {  	s7 =	sld [smem:$0x3FB1]  }
0x2d: {  	s3 =	simm.s32 $0x108;
	s8 =	sld [smem:$0x3FB2]  }
0x2e: {  	s3 =	simm.s32 @!p0 $0x1082;
	s9 =	sld [smem:$0x3FB3]  }
0x2f: {  	lr =	sadd.s32 s0, s3;
	s0 =	sld [smem:$0x3FAA]  }
0x30: {  	s3 =	sld [smem:$0x3FAD]  }
0x31: {  	[smem:$0x3FB6] =	sst s10  }
0x32: {  	s10 =	sld [smem:$0x3FB4];
	_ =	sdelay $0x3  }
0x33: {  	p0 =	seq.s32 s10, $0x1;
	s10 =	sld [smem:$0x3FB6];
	_ =	sdelay $0x3  }
0x34: {  	[smem:$0x3FB6] =	sst s10  }
0x35: {  	s10 =	sld [smem:$0x3FB5];
	_ =	sdelay $0x3  }
0x36: {  	p1 =	seq.s32 s10, $0x1;
	s10 =	sld [smem:$0x3FB6];
	_ =	sdelay $0x3  }
0x37: {  	[smem:$0x3FB6] =	sst s10  }
0x38: {  	s10 =	sld [smem:$0x3FB7]  }
0x39: {  	_ = 	snop;
	(pc) =	sbr.ind lr, $3  }
0x3a: {  	_ = 	snop  }
0x3b: {  	_ = 	snop  }
0x3c: {  	p2 =	seq.s32 s10, $0x1;
	s10 =	sld [smem:$0x3FB6]  }
0x3d: {  	_ =	shalt  }
0x3e: {  	_ =	shalt  }
0x3f: {  	_ =	shalt  }
0x40: {  	_ =	shalt  }
0x41: {  	_ =	shalt  }
0x42: {  	_ =	shalt  }
0x43: {  	_ =	shalt  }
0x44: {  	_ =	shalt  }
0x45: {  	_ =	shalt  }
0x46: {  	_ =	shalt  }
0x47: {  	_ =	shalt  }
0x48: {  	_ =	shalt  }
0x49: {  	_ =	shalt  }
0x4a: {  	_ =	shalt  }
0x4b: {  	_ =	shalt  }
0x4c: {  	_ =	shalt  }
0x4d: {  	_ =	shalt  }
0x4e: {  	_ =	shalt  }
0x4f: {  	_ =	shalt  }
0x50: {  	_ =	shalt  }
0x51: {  	_ =	shalt  }
0x52: {  	_ =	shalt  }
0x53: {  	_ =	shalt  }
0x54: {  	_ =	shalt  }
0x55: {  	_ =	shalt  }
0x56: {  	_ =	shalt  }
0x57: {  	_ =	shalt  }
0x58: {  	_ =	shalt  }
0x59: {  	_ =	shalt  }
0x5a: {  	_ =	shalt  }
0x5b: {  	_ =	shalt  }
0x5c: {  	_ =	shalt  }
0x5d: {  	_ =	shalt  }
0x5e: {  	_ =	shalt  }
0x5f: {  	_ =	shalt  }
0x60: {  	_ =	shalt  }
0x61: {  	_ =	shalt  }
0x62: {  	_ =	shalt  }
0x63: {  	_ =	shalt  }
0x64: {  	_ =	shalt  }
0x65: {  	_ =	shalt  }
0x66: {  	_ =	shalt  }
0x67: {  	_ =	shalt  }
0x68: {  	_ =	shalt  }
0x69: {  	_ =	shalt  }
0x6a: {  	_ =	shalt  }
0x6b: {  	_ =	shalt  }
0x6c: {  	_ =	shalt  }
0x6d: {  	_ =	shalt  }
0x6e: {  	_ =	shalt  }
0x6f: {  	_ =	shalt  }
0x70: {  	_ =	shalt  }
0x71: {  	_ =	shalt  }
0x72: {  	_ =	shalt  }
0x73: {  	_ =	shalt  }
0x74: {  	_ =	shalt  }
0x75: {  	_ =	shalt  }
0x76: {  	_ =	shalt  }
0x77: {  	_ =	shalt  }
0x78: {  	_ =	shalt  }
0x79: {  	_ =	shalt  }
0x7a: {  	_ =	shalt  }
0x7b: {  	_ =	shalt  }
0x7c: {  	_ =	shalt  }
0x7d: {  	_ =	shalt  }
0x7e: {  	_ =	shalt  }
0x7f: {  	_ =	shalt  }
0x80: {  	_ =	shalt  }
0x81: {  	_ =	shalt  }
0x82: {  	_ =	shalt  }
0x83: {  	_ =	shalt  }
0x84: {  	_ =	shalt  }
0x85: {  	_ =	shalt  }
0x86: {  	_ =	shalt  }
0x87: {  	_ =	shalt  }
.Lfunc_end0:
.L_simem_size_0:
called_computation_lowered:
.L_overlay_start_0:
0x88: {  	s2 =	sld [smem:$0x3FD9]  }
0x89: {  	s3 =	sld [smem:$0x3FFE];
	_ =	sdelay $0x1  }
0x8a: {  	s1 =	srdreg.scid  }
0x8b: {  	s0 =	sand.u32 $0x1, s1  }
0x8c: {  	s17 =	sshll.u32 s0, $0xA;
	s2 =	sadd.s32 s3, s2  }
0x8d: {  	s2 =	sadd.s32 s2, s17  }
0x8e: {  	[smem:$0x3FC2] =	sst s2  }
0x8f: {  	_ = 	snop  }
0x90: {  	s2 =	sld [smem:$0x3FD0];
	(tm) =	ssettm $0x1  }
0x91: {  	s18 =	sld [smem:$0x3FFB];
	_ =	sdelay $0x3  }
0x92: {  	_ =	strace s18  }
0x93: {  	s3 =	sld [smem:$0x3FFC];
	_ =	sdelay $0x3  }
0x94: {  	_ =	strace s3  }
0x95: {  	s3 =	sld [smem:$0x3FFD];
	_ =	sdelay $0x3  }
0x96: {  	_ =	strace s3  }
0x97: {  	_ =	strace $0x8FFFFFFF  }
0x98: {  	s19 =	sld [smem:$0x3FDB];
	_ =	sdelay $0x1  }
0x99: {  	s4 =	simm.s32 $_scs_section_size  }
0x9a: {  	s5 =	simm.s32 $_size__tile_overlayer_lowered;
	s6 =	simm.s32 $_tile_overlayer_lowered  }
0x9b: {  	s22 =	simm.s32 $0x1BFF;
	s21 =	sshll.u32 s6, $0x1;
	s3 =	sadd.s32 s4, s19  }
0x9c: {  	s7 =	simm.s32 $0x0;
	s20 =	sshll.u32 s5, $0x1;
	s5 =	sadd.s32 s21, s3  }
0x9d: {  	[timem:s7], [sflag:s22] =	dma.local [hbm:s5], s20  }
0x9e: {  	_ =	swait.ge [sflag:s22], s20  }
0x9f: {  	s4 =	ssub.s32 $0x0, s20;
	[sflag:s22] =	ssyncset.done $0x0  }
0xa0: {  	[sflag:s22] =	ssyncadd.s32 s4;
	_ =	sdelay $0x1  }
0xa1: {  	s23 =	simm.s32 $0x1B8B  }
0xa2: {  	_ =	swait.ge [sflag:s23], $0x1  }
0xa3: {  	[sflag:s23] =	ssyncset.done $0x0  }
0xa4: {  	s25 =	simm.s32 $0x1B8E;
	s24 =	sld [smem:$0x3FFE];
	[sflag:s23] =	ssyncadd.s32 $0xFFFFFFFF  }
0xa5: {  	s26 =	simm.s32 $execute0_lowered;
	[smem:$0x3FD2] =	sst s25  }
0xa6: {  	s5 =	sshll.u32 s26, $0x1;
	_ =	strace $0x80000046;
	[dreg:$0x1] =	wrdreg $0xFFFFFFFF  }
0xa7: {  	s28 =	simm.s32 $_size_execute0_lowered;
	s3 =	sadd.s32 s3, s5;
	[dreg:$0x0] =	wrdreg $0x0  }
0xa8: {  	s5 =	sshll.u32 s28, $0x1;
	[dreg:$0x2] =	wrdreg s3  }
0xa9: {  	[dreg:$0x3] =	wrdreg s5  }
0xaa: {  	[dreg:$0x4] =	wrdreg $0xC0  }
0xab: {  	_ =	task [dreg:s7], $0x5FFFF  }
0xac: {  	[dreg:$0x1] =	wrdreg $0xFFFFFFFF  }
0xad: {  	[dreg:$0x0] =	wrdreg $0x60  }
0xae: {  	[dreg:$0x2] =	wrdreg s24  }
0xaf: {  	[dreg:$0x3] =	wrdreg s2  }
0xb0: {  	[dreg:$0x4] =	wrdreg $0x9  }
0xb1: {  	_ =	task.clear_ibuf [dreg:s7], $0x5FFFF;
	_ =	strace $0x90000046  }
0xb2: {  	s29 =	simm.s32 $0x9;
	_ =	strace $0x80000048  }
0xb3: {  	_ =	swait.ge [sflag:s29], $0x1  }
0xb4: {  	[sflag:s29] =	ssyncadd.s32 $0xFFFFFFFF  }
0xb5: {  	_ =	strace $0x90000048  }
0xb6: {  	_ =	sfence  }
0xb7: {  	s30 =	sld [smem:$0x0];
	_ =	sdelay $0x2  }
0xb8: {  	s31 =	sshll.u32 s1, $0xD;
	s1 =	sshrl.u32 s1, $0x2  }
0xb9: {  	s3 =	sand.u32 $0x4000, s31;
	s1 =	sadd.s32 s1, s30  }
0xba: {  	s0 =	sor.u32 s3, s0;
	s1 =	sshll.u32 s1, $0x11  }
0xbb: {  	s0 =	sor.u32 s1, s0  }
0xbc: {  	s0 =	sadd.s32 $0x8F2B, s0  }
0xbd: {  	[sflag:s0] =	ssyncadd.remote.s32 $0x1  }
0xbe: {  	_ =	sfence.sel $0xFFFF  }
0xbf: {  	[dreg:$0x0] =	wrdreg $0xFFFFFFFF;
	(pc) =	sbr.abs _section_cstart, $3  }
0xc0: {  	[dreg:$0x1] =	wrdreg $0xFFFFFFFF  }
0xc1: {  	_ =	task.clear_ibuf [dreg:s7], $0x2FFFF;
	_ =	strace $0x9FFFFFFF  }
0xc2: {  	(tm) =	ssettm $0x7FFFFFFF  }
0xc3: {  	_ =	shalt  }
tec
execute0_lowered:
.L_overlay_start_1:
0x0: {  	(tag) =	ssettag $0x1  }
0x1: {  	s7 =	rddreg [dreg:$0x0]  }
0x2: {  	s2 =	rddreg [dreg:$0x1]  }
0x3: {  	s0 =	rddreg [dreg:$0x2]  }
0x4: {  	s1 =	srdreg.scid;
	_ =	strace $0x80000047;
	s4 =	simm.s32 $0x1  }
0x5: {  	s9 =	simm.s32 $0x3;
	s11 =	simm.s32 $0x0;
	s5 =	sshll.u32 s1, $0x4  }
.Ltmp0:
0x6: {  	s1 =	stileid.u32;
	s5 =	sand.u32 $0x10, s5;
	(pc) =	sbr.rel .LBB2_1-.Ltmp0, $4  }
0x7: {  	p0 =	por $0x0, $0x0;
	s3 =	sadd.s32 $0x29800, s7;
	s6 =	sor.u32 s1, s5  }
0x8: {  	[sflag:s4] =	ssyncpa.u1 $0x0;
	s5 =	simm.s32 $0x2;
	s6 =	sshll.u32 s6, $0x6  }
0x9: {  	s7 =	sadd.s32 $0x29600, s7;
	[sflag:s5] =	ssyncpa.u1 $0x0;
	s8 =	sadd.s32 $0x40, s6  }
0xa: {  	vm0 =	vmmov $0xff;
	vm1 =	vcmask $0x3F20;
	[sflag:s9] =	ssyncpa.u1 $0x0;
	s10 =	smov.u32 s6;
	s9 =	simm.s32 $0x0  }
.LBB2_9:
0xb: {  	p1 =	slt.u32 s9, $0x2;
	s11 =	sadd.s32 $0x20, s10  }
0xc: {  	s13 =	smov.u32 s6;
	s9 =	sadd.s32 $0x1, s9;
	p2 =	slt.s32 s11, s8  }
0xd: {  	s13 =	smov.u32 @p2 s11;
	p2 =	sne.s32 s9, $0x4  }
.Ltmp1:
0xe: {  	_ = 	snop;
	(pc) =	sbr.rel @!p2 .LBB2_10-.Ltmp1, $4  }
0xf: {  	s12 =	simm.s32 @!p1 $0x3  }
0x10: {  	_ =	swait.ge @!p1 [sflag:s12], $0x8000  }
0x11: {  	p0 =	por !p0, !p0;
	[sflag:s12] =	ssyncset.done @!p1 $0x0  }
0x12: {  	s11 =	smov.u32 s10;
	s10 =	smov.u32 s13;
	[sflag:s12] =	ssyncadd.s32 @!p1 $0xFFFF8000  }
.LBB2_1:
0x13: {  	p1 =	sgt.u32 s9, $0x1  }
0x14: {  	s12 =	sshll.u32 @!p1 s9, $0x5;
	s13 =	sshrl.u32 @!p1 s10, $0x3  }
0x15: {  	s14 =	sand.u32 @!p1 $0x7, s10;
	s12 =	sxor.u32 @!p1 $0x20, s12;
	s13 =	sadd.s32 @!p1 s7, s13  }
0x16: {  	[tilespmem:s12], [sflag:$0x2] =	stream.linear.gather @!p1 [hbm4b:s13+s14], $0x20, $0x38;
	[tilespmem:$0x10040] =	vst v63  }
0x17: {  	p1 =	seq.s32 s9, $0x0  }
0x18: {  	p2 =	seq.s32 @!p1 s9, $0x3  }
0x19: {  	p1 =	por p1, p2  }
.Ltmp2:
0x1a: {  	_ = 	snop;
	(pc) =	sbr.rel @p1 .LBB2_9-.Ltmp2, $1  }
0x1b: {  	_ =	sdelay $0x3  }
0x1c: {  	s12 =	simm.s32 $0x1  }
0x1d: {  	_ =	swait.ge [sflag:s5], $0x20;
	s13 =	sand.u32 $0x1, s9;
	s12 =	simm.s32 @!p0 $0x0  }
0x1e: {  	s15 =	simm.s32 $0x0;
	p2 =	por $0x1, $0x1;
	s12 =	sshll.u32 s12, $0x11  }
0x1f: {  	[sflag:s5] =	ssyncset.done $0x0;
	s13 =	sshll.u32 s13, $0x5;
	s14 =	sshrl.u32 s12, $0x2  }
0x20: {  	[sflag:s5] =	ssyncadd.s32 $0xFFFFFFE0;
	s12 =	sor.u32 $0x40, s14;
	s14 =	sadd.s32 $0x40, s14  }
.LBB2_3:
0x21: {  	s16 =	sshll.u32 s15, $0x4  }
0x22: {  	s16 =	sand.u32 $0x3FFFFFF0, s16  }
0x23: {  	s16 =	sadd.s32 s16, s13  }
0x24: {  	v0 =	vld.msk [tilespmem:s16+$0x0 ss:$0x1], $0xffff;
	_ =	sdelay $0x4  }
0x25: {  	vm2 =	vgt.s32 v0, $0x0  }
0x26: {  	v0 =	vnsel vm2, $0x0, v0  }
0x27: {  	v0 =	vmin.u32 v0, $0xBFF  }
0x28: {  	v1 =	vshll.u32 v0, $0x7;
	v0 =	vshll.u32 v0, $0x4  }
0x29: {  	v1 =	vand.u32 $0x7FC00, v1;
	v0 =	vand.u32 $0x70, v0  }
0x2a: {  	v0 =	vor.u32 v0, v1  }
0x2b: {  	s31 =	sshll.u32 s15, $0x10  }
0x2c: {  	s15 =	sshra.s32 s31, $0x2  }
0x2d: {  	s15 =	sadd.s32 s15, s14  }
0x2e: {  	s17 =	sadd.s32 $0x0, s15  }
0x2f: {  	[tilespmem:s17], [sflag:$0x1] =	stream.indirect_vreg.gather [hbm:s3], $0x80, v0, vm0, $0x38;
	[tilespmem:$0x10040] =	vst v63  }
0x30: {  	p1 =	por p2, p2;
	s16 =	simm.s32 $0x1000;
	v1 =	vadd.s32 $0x80, v0;
	s17 =	sadd.s32 $0x2000, s17  }
.LBB2_4:
0x31: {  	[tilespmem:s17], [sflag:$0x1] =	stream.indirect_vreg.gather [hbm:s3], $0x80, v0, vm1, $0x38;
	[tilespmem:$0x10040] =	vst v63  }
0x32: {  	v0 =	vmov v1;
	s17 =	smov.u32 s16;
	p2 =	sne.s32 s16, $0x7000  }
.Ltmp3:
0x33: {  	s16 =	sadd.s32 $0x1000, s16;
	(pc) =	sbr.rel @p2 .LBB2_4-.Ltmp3, $4  }
0x34: {  	s17 =	sshra.s32 s17, $0x2  }
0x35: {  	s17 =	sadd.s32 s17, s15  }
0x36: {  	[tilespmem:s17], [sflag:$0x1] =	stream.indirect_vreg.gather [hbm:s3], $0x80, v1, vm0, $0x38;
	[tilespmem:$0x10040] =	vst v63  }
0x37: {  	s17 =	sadd.s32 $0x2000, s17;
	v1 =	vadd.s32 $0x80, v1  }
0x38: {  	_ = 	snop  }
.Ltmp4:
0x39: {  	_ = 	snop;
	(pc) =	sbr.rel @p1 .LBB2_3-.Ltmp4, $3  }
0x3a: {  	_ =	sdelay $0x1  }
0x3b: {  	[tilespmem:s17], [sflag:$0x1] =	stream.indirect_vreg.gather [hbm:s3], $0x80, v0, vm1, $0x38;
	[tilespmem:$0x10040] =	vst v63  }
0x3c: {  	s15 =	simm.s32 $0x1;
	p2 =	por $0x0, $0x0  }
0x3d: {  	s13 =	sshll.u32 s11, $0x7  }
0x3e: {  	s31 =	sshll.u32 s11, $0x4;
	s13 =	sand.u32 $0xFFFFFC00, s13  }
0x3f: {  	_ =	swait.ge [sflag:s4], $0x8000;
	s11 =	sand.u32 $0x70, s31;
	s13 =	sadd.s32 s13, s2  }
0x40: {  	s14 =	sadd.s32 $0x2000, s12;
	[sflag:s4] =	ssyncset.done $0x0;
	s11 =	sadd.s32 s11, s13  }
0x41: {  	[sflag:s4] =	ssyncadd.s32 $0xFFFF8000;
	s13 =	simm.s32 $0x400;
	s15 =	sadd.s32 $0x0, s11  }
.LBB2_7:
0x42: {  	[hbm:s15] =	stream.linear.scatter [tilespmem:s12], [sflag:$0x3], $0x2000, $0x38;
	[tilespmem:$0x10040] =	vst v63  }
0x43: {  	s15 =	smov.u32 s13;
	s12 =	smov.u32 s14;
	p1 =	sne.s32 s13, $0xC00  }
.Ltmp5:
0x44: {  	s13 =	sadd.s32 $0x400, s13;
	(pc) =	sbr.rel @p1 .LBB2_7-.Ltmp5, $2  }
0x45: {  	_ =	sdelay $0x2  }
0x46: {  	s14 =	sadd.s32 $0x2000, s14;
	s15 =	sadd.s32 s15, s11  }
.Ltmp6:
0x47: {  	(pc) =	sbr.rel .LBB2_9-.Ltmp6, $2  }
0x48: {  	_ =	sdelay $0x2  }
0x49: {  	[hbm:s15] =	stream.linear.scatter [tilespmem:s12], [sflag:$0x3], $0x2000, $0x38;
	[tilespmem:$0x10040] =	vst v63  }
.LBB2_10:
0x4a: {  	_ =	sfence.sel $0x180000  }
0x4b: {  	s2 =	simm.s32 $0x2;
	[bflag:$0x0] =	sbarrier.arrive $0xFFFF  }
0x4c: {  	s30 =	simm.s32 $0x3;
	[sflag:s2] =	ssyncpa.u1 $0x1  }
0x4d: {  	s31 =	simm.s32 $0x1;
	[sflag:s30] =	ssyncpa.u1 $0x1  }
0x4e: {  	[sflag:s31] =	ssyncpa.u1 $0x1  }
0x4f: {  	p0 =	sne.s32 s1, $0x0;
	_ =	strace $0x90000047  }
0x50: {  	s0 =	sadd.s32 @!p0 $0x100000, s0;
	[bflag:$0x2] =	sbarrier.arrive $0xFFFF  }
0x51: {  	[sflag:s0] =	ssyncadd.tile.s32 @!p0 $0x1;
	_ =	shalt  }
.Lfunc_end2:
_tile_overlayer_lowered:
.L_overlay_start_2:
0x52: {  	(tag) =	ssettag $0x2  }
0x53: {  	s0 =	rddreg [dreg:$0x0];
	s2 =	stileid.u32  }
0x54: {  	s1 =	rddreg [dreg:$0x1];
	p0 =	sne.s32 s2, $0x0  }
0x55: {  	s3 =	rddreg [dreg:$0x2];
	[bflag:$0x3] =	sbarrier.arrive $0xFFFF;
	s2 =	simm.s32 @!p0 $0x1C01  }
0x56: {  	[timem:s3], [sflag:s2] =	dma.local @!p0 [hbm:s0], s1  }
0x57: {  	s0 =	simm.s32 @!p0 $0x1  }
0x58: {  	_ =	swait.ge @!p0 [sflag:s0], s1  }
0x59: {  	s1 =	ssub.s32 @!p0 $0x0, s1;
	[sflag:s0] =	ssyncset.done @!p0 $0x0  }
0x5a: {  	[sflag:s0] =	ssyncadd.s32 @!p0 s1  }
0x5b: {  	[bflag:$0x3] =	sbarrier.arrive $0xFFFF  }
0x5c: {  	_ =	shalt  }

</sc_bundles>
